<compile_context>
chip_gen: v7x
topology: tpu7x:2x2x1
jax: 0.10.2.dev20260603
libtpu: 0.0.44.dev20260713+nightly
codegen_flags: <defaults>
</compile_context>

<pallas_src>
import functools

import jax
import jax.numpy as jnp
from jax import lax
from jax.experimental import pallas as pl
from jax.experimental.pallas import tpu as pltpu
from jax.experimental.pallas import tpu_sc as plsc

ROWS = 64
COLS = 32768
NC = 2
NS = 16
L = 16
NW = NC * NS
SC_ROWS = 16
WPR = NW // SC_ROWS
SEG = COLS // WPR
CPR = 2
CW = SEG // CPR
TC_ROWS = ROWS - SC_ROWS
TC_BLK = 16
UNROLL = 8
SENTINEL = ROWS


@functools.cache
def _get_sc_scan():
    mesh = plsc.VectorSubcoreMesh(
        core_axis_name="c", subcore_axis_name="s",
        num_cores=NC, num_subcores=NS)
    return pl.kernel(
        _sc_scan_body,
        out_type=jax.ShapeDtypeStruct((NW, L), jnp.int32),
        mesh=mesh,
        scratch_types=[
            pltpu.VMEM((2, CW), jnp.float32),
            pltpu.VMEM((L,), jnp.int32),
            pltpu.SemaphoreType.DMA,
            pltpu.SemaphoreType.DMA,
        ],
    )


def _sc_scan_body(x_hbm, cand_hbm, buf, candbuf, sem0, sem1):
    c = lax.axis_index("c")
    s = lax.axis_index("s")
    wid = s * NC + c
    row = wid // WPR
    col0 = (wid % WPR) * SEG
    sems = (sem0, sem1)

    def copy(k):
        return pltpu.make_async_copy(
            x_hbm.at[row, pl.ds(col0 + k * CW, CW)],
            buf.at[k % 2], sems[k % 2])

    copy(0).start()
    steps = CW // (L * UNROLL)
    one = jnp.ones((L,), jnp.int32)
    accs = [jnp.zeros((L,), jnp.int32) for _ in range(UNROLL)]

    for k in range(CPR):
        if k + 1 < CPR:
            copy(k + 1).start()
        copy(k).wait()
        b = buf.at[k % 2]

        def body(i, acc, b=b):
            base = i * (L * UNROLL)
            return tuple(
                jnp.where(b[pl.ds(base + u * L, L)] <= 0.5, one, acc[u])
                for u in range(UNROLL))

        accs = list(lax.fori_loop(0, steps, body, tuple(accs)))

    acc = accs[0]
    for u in range(1, UNROLL):
        acc = acc | accs[u]
    candv = jnp.where(acc > 0, jnp.broadcast_to(row, (L,)),
                      jnp.full((L,), SENTINEL, jnp.int32))
    candbuf[...] = candv.astype(jnp.int32)
    pltpu.sync_copy(candbuf, cand_hbm.at[wid])


def _tc_scan_body(x_ref, o_ref):
    i = pl.program_id(0)
    rowany = jnp.any(x_ref[...] <= 0.5, axis=1, keepdims=True)
    rows = (lax.broadcasted_iota(jnp.int32, (TC_BLK, 1), 0)
            + SC_ROWS + i * TC_BLK)
    cand = jnp.min(jnp.where(rowany, rows, SENTINEL), keepdims=True)

    @pl.when(i == 0)
    def _():
        o_ref[...] = cand

    @pl.when(i > 0)
    def _():
        o_ref[...] = jnp.minimum(o_ref[...], cand)


_tc_scan = pl.pallas_call(
    _tc_scan_body,
    out_shape=jax.ShapeDtypeStruct((1, 1), jnp.int32),
    grid=(TC_ROWS // TC_BLK,),
    in_specs=[pl.BlockSpec((TC_BLK, COLS),
                           lambda i: (i + SC_ROWS // TC_BLK, 0))],
    out_specs=pl.BlockSpec((1, 1), lambda i: (0, 0)),
)


def _merge_body(sc_ref, tc_ref, o_ref):
    m = jnp.minimum(jnp.min(sc_ref[...]), jnp.min(tc_ref[...]))
    o_ref[0] = jnp.where(m >= SENTINEL, 0, m) + 2


_merge = pl.pallas_call(
    _merge_body,
    out_shape=jax.ShapeDtypeStruct((1,), jnp.int32),
    in_specs=[
        pl.BlockSpec(memory_space=pltpu.VMEM),
        pl.BlockSpec(memory_space=pltpu.VMEM),
    ],
    out_specs=pl.BlockSpec(memory_space=pltpu.SMEM),
)


def kernel(x):
    sc_cand = _get_sc_scan()(x)
    tc_cand = _tc_scan(x)
    return _merge(sc_cand, tc_cand)

# --- scband reference (transcript-rebuilt; emitter-appended) ---
"""Pipeline reference for scband-baz-11879879541642 (READ-ONLY COPY).

The authoritative reference and input builder live on the scoring server;
editing this copy changes nothing except your own understanding.
"""

import jax, jax.numpy as jnp
import numpy as np


def setup_inputs() -> dict:
    # fill=arange: values 0..64*32768-1 reshaped to [64, 32768]
    x = jnp.arange(64 * 32768, dtype=jnp.float32).reshape(64, 32768)
    return {"x": x}


def reference(x):
    # torch.where(x <= 0.5)[0] -> first-dimension (row) indices of matching elements.
    # With arange fill only element (0,0)=0.0 satisfies x<=0.5, so idx = [0].
    idx = jnp.where(x <= 0.5, size=1)[0]
    if idx.shape[0] < 200:
        return idx + 2
    # original torch module implicitly returns None on the else branch
    return None

if __name__ == "__main__":
    import jax
    _d = setup_inputs()
    print(jax.jit(kernel)(*tuple(_d.values())))

</pallas_src>

<mosaic_0001>
#map = affine_map<(d0, d1) -> (0, 0)>
module attributes {stable_mosaic.version = 14 : i64} {
  func.func @_sc_scan_body(%arg0: i32, %arg1: i32, %arg2: memref<64x32768xf32, #tpu.memory_space<hbm>>, %arg3: memref<32x16xi32, #tpu.memory_space<hbm>>, %arg4: memref<2x8192xf32, #tpu.memory_space<vmem>>, %arg5: memref<16xi32, #tpu.memory_space<vmem>>, %arg6: memref<!tpu.dma_semaphore, #tpu.memory_space<semaphore_mem>>, %arg7: memref<!tpu.dma_semaphore, #tpu.memory_space<semaphore_mem>>) attributes {dimension_semantics = [#tpu.dimension_semantics<core_parallel>, #tpu.dimension_semantics<subcore_parallel>], iteration_bounds = array<i64: 2, 16>, scalar_prefetch = 0 : i64, scratch_operands = 4 : i64, tpu.core_type = #tpu.core_type<sc_vector_subcore>, window_params = [{transform_indices = #map}, {transform_indices = #map}]} {
    %mul3A = arith.constant 2 : i32
    %mul3A_0 = arith.muli %arg1, %mul3A : i32
    %add3A = arith.addi %mul3A_0, %arg0 : i32
    %jit3A = arith.constant 2 : i32
    %div3A = arith.divsi %add3A, %jit3A : i32
    %sign3A = arith.constant 0 : i32
    %sign3A_1 = arith.cmpi sgt, %add3A, %sign3A : i32
    %sign3A_2 = arith.extui %sign3A_1 : i1 to i32
    %sign3A_3 = arith.constant 0 : i32
    %sign3A_4 = arith.cmpi slt, %add3A, %sign3A_3 : i32
    %sign3A_5 = arith.extui %sign3A_4 : i1 to i32
    %sign3A_6 = arith.subi %sign3A_2, %sign3A_5 : i32
    %sign3A_7 = arith.constant 0 : i32
    %sign3A_8 = arith.cmpi sgt, %jit3A, %sign3A_7 : i32
    %sign3A_9 = arith.extui %sign3A_8 : i1 to i32
    %sign3A_10 = arith.constant 0 : i32
    %sign3A_11 = arith.cmpi slt, %jit3A, %sign3A_10 : i32
    %sign3A_12 = arith.extui %sign3A_11 : i1 to i32
    %sign3A_13 = arith.subi %sign3A_9, %sign3A_12 : i32
    %ne3A = arith.cmpi ne, %sign3A_6, %sign3A_13 : i32
    %rem3A = arith.remsi %add3A, %jit3A : i32
    %ne3A_14 = arith.constant 0 : i32
    %ne3A_15 = arith.cmpi ne, %rem3A, %ne3A_14 : i32
    %and3A = arith.andi %ne3A, %ne3A_15 : i1
    %sub3A = arith.constant 1 : i32
    %sub3A_16 = arith.subi %div3A, %sub3A : i32
    %select_n3A = arith.select %and3A, %sub3A_16, %div3A : i32
    %jit3A_17 = arith.constant 2 : i32
    %eq3A = arith.constant 0 : i32
    %eq3A_18 = arith.cmpi eq, %jit3A_17, %eq3A : i32
    %jit3A_19 = arith.constant 1 : i32
    %select_n3A_20 = arith.select %eq3A_18, %jit3A_19, %jit3A_17 : i32
    %rem3A_21 = arith.remsi %add3A, %select_n3A_20 : i32
    %ne3A_22 = arith.constant 0 : i32
    %ne3A_23 = arith.cmpi ne, %rem3A_21, %ne3A_22 : i32
    %lt3A = arith.constant 0 : i32
    %lt3A_24 = arith.cmpi slt, %rem3A_21, %lt3A : i32
    %lt3A_25 = arith.constant 0 : i32
    %lt3A_26 = arith.cmpi slt, %select_n3A_20, %lt3A_25 : i32
    %ne3A_27 = arith.xori %lt3A_24, %lt3A_26 : i1
    %and3A_28 = arith.andi %ne3A_27, %ne3A_23 : i1
    %add3A_29 = arith.addi %rem3A_21, %select_n3A_20 : i32
    %select_n3A_30 = arith.select %and3A_28, %add3A_29, %rem3A_21 : i32
    %mul3A_31 = arith.constant 16384 : i32
    %mul3A_32 = arith.muli %select_n3A_30, %mul3A_31 : i32
    %add3A_33 = arith.constant 0 : i32
    %add3A_34 = arith.addi %mul3A_32, %add3A_33 : i32
    %dma_start3A = arith.constant 0 : i32
    %dma_start3A_35 = arith.constant 0 : i32
    %dma_start3A_36 = tpu.memref_slice %arg4[%dma_start3A, %dma_start3A_35] : memref<2x8192xf32, #tpu.memory_space<vmem>> -> memref<1x8192xf32, #tpu.memory_space<vmem>>
    %dma_start3A_37 = tpu.memref_squeeze %dma_start3A_36 : memref<1x8192xf32, #tpu.memory_space<vmem>> -> memref<8192xf32, #tpu.memory_space<vmem>>
    %dma_start3A_38 = tpu.memref_slice %arg2[%select_n3A, %add3A_34] : memref<64x32768xf32, #tpu.memory_space<hbm>> -> memref<1x8192xf32, #tpu.memory_space<hbm>>
    %dma_start3A_39 = tpu.memref_squeeze %dma_start3A_38 : memref<1x8192xf32, #tpu.memory_space<hbm>> -> memref<8192xf32, #tpu.memory_space<hbm>>
    %dma_start3A_40 = arith.constant 0 : i32
    %dma_start3A_41 = tpu.memref_slice %arg4[%dma_start3A, %dma_start3A_40] : memref<2x8192xf32, #tpu.memory_space<vmem>> -> memref<1x8192xf32, #tpu.memory_space<vmem>>
    %dma_start3A_42 = tpu.memref_squeeze %dma_start3A_41 : memref<1x8192xf32, #tpu.memory_space<vmem>> -> memref<8192xf32, #tpu.memory_space<vmem>>
    %dma_start3A_43 = tpu.memref_slice %arg2[%select_n3A, %add3A_34] : memref<64x32768xf32, #tpu.memory_space<hbm>> -> memref<1x8192xf32, #tpu.memory_space<hbm>>
    %dma_start3A_44 = tpu.memref_squeeze %dma_start3A_43 : memref<1x8192xf32, #tpu.memory_space<hbm>> -> memref<8192xf32, #tpu.memory_space<hbm>>
    tpu.enqueue_dma source(%dma_start3A_44 : memref<8192xf32, #tpu.memory_space<hbm>>) target(%dma_start3A_42 : memref<8192xf32, #tpu.memory_space<vmem>>) target_semaphore(%arg6 : memref<!tpu.dma_semaphore, #tpu.memory_space<semaphore_mem>>)
    %broadcast_in_dim3A = arith.constant 1 : i32
    %broadcast_in_dim3A_45 = vector.broadcast %broadcast_in_dim3A : i32 to vector<16xi32>
    %broadcast_in_dim3A_46 = arith.constant 0 : i32
    %broadcast_in_dim3A_47 = vector.broadcast %broadcast_in_dim3A_46 : i32 to vector<16xi32>
    %broadcast_in_dim3A_48 = arith.constant 0 : i32
    %broadcast_in_dim3A_49 = vector.broadcast %broadcast_in_dim3A_48 : i32 to vector<16xi32>
    %broadcast_in_dim3A_50 = arith.constant 0 : i32
    %broadcast_in_dim3A_51 = vector.broadcast %broadcast_in_dim3A_50 : i32 to vector<16xi32>
    %broadcast_in_dim3A_52 = arith.constant 0 : i32
    %broadcast_in_dim3A_53 = vector.broadcast %broadcast_in_dim3A_52 : i32 to vector<16xi32>
    %broadcast_in_dim3A_54 = arith.constant 0 : i32
    %broadcast_in_dim3A_55 = vector.broadcast %broadcast_in_dim3A_54 : i32 to vector<16xi32>
    %broadcast_in_dim3A_56 = arith.constant 0 : i32
    %broadcast_in_dim3A_57 = vector.broadcast %broadcast_in_dim3A_56 : i32 to vector<16xi32>
    %broadcast_in_dim3A_58 = arith.constant 0 : i32
    %broadcast_in_dim3A_59 = vector.broadcast %broadcast_in_dim3A_58 : i32 to vector<16xi32>
    %broadcast_in_dim3A_60 = arith.constant 0 : i32
    %broadcast_in_dim3A_61 = vector.broadcast %broadcast_in_dim3A_60 : i32 to vector<16xi32>
    %add3A_62 = arith.constant 8192 : i32
    %add3A_63 = arith.addi %mul3A_32, %add3A_62 : i32
    %dma_start3A_64 = arith.constant 1 : i32
    %dma_start3A_65 = arith.constant 0 : i32
    %dma_start3A_66 = tpu.memref_slice %arg4[%dma_start3A_64, %dma_start3A_65] : memref<2x8192xf32, #tpu.memory_space<vmem>> -> memref<1x8192xf32, #tpu.memory_space<vmem>>
    %dma_start3A_67 = tpu.memref_squeeze %dma_start3A_66 : memref<1x8192xf32, #tpu.memory_space<vmem>> -> memref<8192xf32, #tpu.memory_space<vmem>>
    %dma_start3A_68 = tpu.memref_slice %arg2[%select_n3A, %add3A_63] : memref<64x32768xf32, #tpu.memory_space<hbm>> -> memref<1x8192xf32, #tpu.memory_space<hbm>>
    %dma_start3A_69 = tpu.memref_squeeze %dma_start3A_68 : memref<1x8192xf32, #tpu.memory_space<hbm>> -> memref<8192xf32, #tpu.memory_space<hbm>>
    %dma_start3A_70 = arith.constant 0 : i32
    %dma_start3A_71 = tpu.memref_slice %arg4[%dma_start3A_64, %dma_start3A_70] : memref<2x8192xf32, #tpu.memory_space<vmem>> -> memref<1x8192xf32, #tpu.memory_space<vmem>>
    %dma_start3A_72 = tpu.memref_squeeze %dma_start3A_71 : memref<1x8192xf32, #tpu.memory_space<vmem>> -> memref<8192xf32, #tpu.memory_space<vmem>>
    %dma_start3A_73 = tpu.memref_slice %arg2[%select_n3A, %add3A_63] : memref<64x32768xf32, #tpu.memory_space<hbm>> -> memref<1x8192xf32, #tpu.memory_space<hbm>>
    %dma_start3A_74 = tpu.memref_squeeze %dma_start3A_73 : memref<1x8192xf32, #tpu.memory_space<hbm>> -> memref<8192xf32, #tpu.memory_space<hbm>>
    tpu.enqueue_dma source(%dma_start3A_74 : memref<8192xf32, #tpu.memory_space<hbm>>) target(%dma_start3A_72 : memref<8192xf32, #tpu.memory_space<vmem>>) target_semaphore(%arg7 : memref<!tpu.dma_semaphore, #tpu.memory_space<semaphore_mem>>)
    %add3A_75 = arith.constant 0 : i32
    %add3A_76 = arith.addi %mul3A_32, %add3A_75 : i32
    %dma_wait3A = arith.constant 0 : i32
    %dma_wait3A_77 = arith.constant 0 : i32
    %dma_wait3A_78 = tpu.memref_slice %arg4[%dma_wait3A, %dma_wait3A_77] : memref<2x8192xf32, #tpu.memory_space<vmem>> -> memref<1x8192xf32, #tpu.memory_space<vmem>>
    %dma_wait3A_79 = tpu.memref_squeeze %dma_wait3A_78 : memref<1x8192xf32, #tpu.memory_space<vmem>> -> memref<8192xf32, #tpu.memory_space<vmem>>
    %dma_wait3A_80 = tpu.memref_slice %arg2[%select_n3A, %add3A_76] : memref<64x32768xf32, #tpu.memory_space<hbm>> -> memref<1x8192xf32, #tpu.memory_space<hbm>>
    %dma_wait3A_81 = tpu.memref_squeeze %dma_wait3A_80 : memref<1x8192xf32, #tpu.memory_space<hbm>> -> memref<8192xf32, #tpu.memory_space<hbm>>
    %dma_wait3A_82 = arith.constant 0 : i32
    %dma_wait3A_83 = tpu.memref_slice %arg4[%dma_wait3A, %dma_wait3A_82] : memref<2x8192xf32, #tpu.memory_space<vmem>> -> memref<1x8192xf32, #tpu.memory_space<vmem>>
    %dma_wait3A_84 = tpu.memref_squeeze %dma_wait3A_83 : memref<1x8192xf32, #tpu.memory_space<vmem>> -> memref<8192xf32, #tpu.memory_space<vmem>>
    %dma_wait3A_85 = tpu.memref_slice %arg2[%select_n3A, %add3A_76] : memref<64x32768xf32, #tpu.memory_space<hbm>> -> memref<1x8192xf32, #tpu.memory_space<hbm>>
    %dma_wait3A_86 = tpu.memref_squeeze %dma_wait3A_85 : memref<1x8192xf32, #tpu.memory_space<hbm>> -> memref<8192xf32, #tpu.memory_space<hbm>>
    tpu.wait_dma2 semaphore(%arg6 : memref<!tpu.dma_semaphore, #tpu.memory_space<semaphore_mem>>) src(%dma_wait3A_86 : memref<8192xf32, #tpu.memory_space<hbm>>) dst(%dma_wait3A_84 : memref<8192xf32, #tpu.memory_space<vmem>>)
    %scan3A = arith.constant 0 : i32
    %scan3A_87 = arith.constant 0 : i32
    %scan3A_88 = arith.constant 64 : i32
    %scan3A_89 = arith.addi %scan3A_87, %scan3A_88 : i32
    %scan3A_90 = arith.constant 1 : i32
    %scan3A_91:8 = scf.for %scan3A_128 = %scan3A_87 to %scan3A_89 step %scan3A_90 iter_args(%scan3A_129 = %broadcast_in_dim3A_47, %scan3A_130 = %broadcast_in_dim3A_49, %scan3A_131 = %broadcast_in_dim3A_51, %scan3A_132 = %broadcast_in_dim3A_53, %scan3A_133 = %broadcast_in_dim3A_55, %scan3A_134 = %broadcast_in_dim3A_57, %scan3A_135 = %broadcast_in_dim3A_59, %scan3A_136 = %broadcast_in_dim3A_61) -> (vector<16xi32>, vector<16xi32>, vector<16xi32>, vector<16xi32>, vector<16xi32>, vector<16xi32>, vector<16xi32>, vector<16xi32>)  : i32 {
      %mul3A_137 = arith.constant 128 : i32
      %mul3A_138 = arith.muli %scan3A_128, %mul3A_137 : i32
      %add3A_139 = arith.constant 0 : i32
      %add3A_140 = arith.addi %mul3A_138, %add3A_139 : i32
      %get3A = arith.constant 0 : i32
      %get3A_141 = tpu.memref_slice %arg4[%scan3A, %get3A] : memref<2x8192xf32, #tpu.memory_space<vmem>> -> memref<1x8192xf32, #tpu.memory_space<vmem>>
      %get3A_142 = tpu.memref_squeeze %get3A_141 : memref<1x8192xf32, #tpu.memory_space<vmem>> -> memref<8192xf32, #tpu.memory_space<vmem>>
      %get3A_143 = arith.index_cast %add3A_140 : i32 to index
      %get3A_144 = tpu.vector_load %get3A_142[%get3A_143] {strides = array<i32>} : memref<8192xf32, #tpu.memory_space<vmem>>, vector<16xf32>,
      %get3A_145 = vector.shape_cast %get3A_144 : vector<16xf32> to vector<16xf32>
      %le3A = arith.constant 5.000000e-01 : f32
      %le3A_146 = vector.broadcast %le3A : f32 to vector<16xf32>
      %le3A_147 = arith.cmpf ole, %get3A_145, %le3A_146 : vector<16xf32>
      %select_n3A_148 = arith.select %le3A_147, %broadcast_in_dim3A_45, %scan3A_129 : vector<16xi1>, vector<16xi32>
      %add3A_149 = arith.constant 16 : i32
      %add3A_150 = arith.addi %mul3A_138, %add3A_149 : i32
      %get3A_151 = arith.constant 0 : i32
      %get3A_152 = tpu.memref_slice %arg4[%scan3A, %get3A_151] : memref<2x8192xf32, #tpu.memory_space<vmem>> -> memref<1x8192xf32, #tpu.memory_space<vmem>>
      %get3A_153 = tpu.memref_squeeze %get3A_152 : memref<1x8192xf32, #tpu.memory_space<vmem>> -> memref<8192xf32, #tpu.memory_space<vmem>>
      %get3A_154 = arith.index_cast %add3A_150 : i32 to index
      %get3A_155 = tpu.vector_load %get3A_153[%get3A_154] {strides = array<i32>} : memref<8192xf32, #tpu.memory_space<vmem>>, vector<16xf32>,
      %get3A_156 = vector.shape_cast %get3A_155 : vector<16xf32> to vector<16xf32>
      %le3A_157 = arith.constant 5.000000e-01 : f32
      %le3A_158 = vector.broadcast %le3A_157 : f32 to vector<16xf32>
      %le3A_159 = arith.cmpf ole, %get3A_156, %le3A_158 : vector<16xf32>
      %select_n3A_160 = arith.select %le3A_159, %broadcast_in_dim3A_45, %scan3A_130 : vector<16xi1>, vector<16xi32>
      %add3A_161 = arith.constant 32 : i32
      %add3A_162 = arith.addi %mul3A_138, %add3A_161 : i32
      %get3A_163 = arith.constant 0 : i32
      %get3A_164 = tpu.memref_slice %arg4[%scan3A, %get3A_163] : memref<2x8192xf32, #tpu.memory_space<vmem>> -> memref<1x8192xf32, #tpu.memory_space<vmem>>
      %get3A_165 = tpu.memref_squeeze %get3A_164 : memref<1x8192xf32, #tpu.memory_space<vmem>> -> memref<8192xf32, #tpu.memory_space<vmem>>
      %get3A_166 = arith.index_cast %add3A_162 : i32 to index
      %get3A_167 = tpu.vector_load %get3A_165[%get3A_166] {strides = array<i32>} : memref<8192xf32, #tpu.memory_space<vmem>>, vector<16xf32>,
      %get3A_168 = vector.shape_cast %get3A_167 : vector<16xf32> to vector<16xf32>
      %le3A_169 = arith.constant 5.000000e-01 : f32
      %le3A_170 = vector.broadcast %le3A_169 : f32 to vector<16xf32>
      %le3A_171 = arith.cmpf ole, %get3A_168, %le3A_170 : vector<16xf32>
      %select_n3A_172 = arith.select %le3A_171, %broadcast_in_dim3A_45, %scan3A_131 : vector<16xi1>, vector<16xi32>
      %add3A_173 = arith.constant 48 : i32
      %add3A_174 = arith.addi %mul3A_138, %add3A_173 : i32
      %get3A_175 = arith.constant 0 : i32
      %get3A_176 = tpu.memref_slice %arg4[%scan3A, %get3A_175] : memref<2x8192xf32, #tpu.memory_space<vmem>> -> memref<1x8192xf32, #tpu.memory_space<vmem>>
      %get3A_177 = tpu.memref_squeeze %get3A_176 : memref<1x8192xf32, #tpu.memory_space<vmem>> -> memref<8192xf32, #tpu.memory_space<vmem>>
      %get3A_178 = arith.index_cast %add3A_174 : i32 to index
      %get3A_179 = tpu.vector_load %get3A_177[%get3A_178] {strides = array<i32>} : memref<8192xf32, #tpu.memory_space<vmem>>, vector<16xf32>,
      %get3A_180 = vector.shape_cast %get3A_179 : vector<16xf32> to vector<16xf32>
      %le3A_181 = arith.constant 5.000000e-01 : f32
      %le3A_182 = vector.broadcast %le3A_181 : f32 to vector<16xf32>
      %le3A_183 = arith.cmpf ole, %get3A_180, %le3A_182 : vector<16xf32>
      %select_n3A_184 = arith.select %le3A_183, %broadcast_in_dim3A_45, %scan3A_132 : vector<16xi1>, vector<16xi32>
      %add3A_185 = arith.constant 64 : i32
      %add3A_186 = arith.addi %mul3A_138, %add3A_185 : i32
      %get3A_187 = arith.constant 0 : i32
      %get3A_188 = tpu.memref_slice %arg4[%scan3A, %get3A_187] : memref<2x8192xf32, #tpu.memory_space<vmem>> -> memref<1x8192xf32, #tpu.memory_space<vmem>>
      %get3A_189 = tpu.memref_squeeze %get3A_188 : memref<1x8192xf32, #tpu.memory_space<vmem>> -> memref<8192xf32, #tpu.memory_space<vmem>>
      %get3A_190 = arith.index_cast %add3A_186 : i32 to index
      %get3A_191 = tpu.vector_load %get3A_189[%get3A_190] {strides = array<i32>} : memref<8192xf32, #tpu.memory_space<vmem>>, vector<16xf32>,
      %get3A_192 = vector.shape_cast %get3A_191 : vector<16xf32> to vector<16xf32>
      %le3A_193 = arith.constant 5.000000e-01 : f32
      %le3A_194 = vector.broadcast %le3A_193 : f32 to vector<16xf32>
      %le3A_195 = arith.cmpf ole, %get3A_192, %le3A_194 : vector<16xf32>
      %select_n3A_196 = arith.select %le3A_195, %broadcast_in_dim3A_45, %scan3A_133 : vector<16xi1>, vector<16xi32>
      %add3A_197 = arith.constant 80 : i32
      %add3A_198 = arith.addi %mul3A_138, %add3A_197 : i32
      %get3A_199 = arith.constant 0 : i32
      %get3A_200 = tpu.memref_slice %arg4[%scan3A, %get3A_199] : memref<2x8192xf32, #tpu.memory_space<vmem>> -> memref<1x8192xf32, #tpu.memory_space<vmem>>
      %get3A_201 = tpu.memref_squeeze %get3A_200 : memref<1x8192xf32, #tpu.memory_space<vmem>> -> memref<8192xf32, #tpu.memory_space<vmem>>
      %get3A_202 = arith.index_cast %add3A_198 : i32 to index
      %get3A_203 = tpu.vector_load %get3A_201[%get3A_202] {strides = array<i32>} : memref<8192xf32, #tpu.memory_space<vmem>>, vector<16xf32>,
      %get3A_204 = vector.shape_cast %get3A_203 : vector<16xf32> to vector<16xf32>
      %le3A_205 = arith.constant 5.000000e-01 : f32
      %le3A_206 = vector.broadcast %le3A_205 : f32 to vector<16xf32>
      %le3A_207 = arith.cmpf ole, %get3A_204, %le3A_206 : vector<16xf32>
      %select_n3A_208 = arith.select %le3A_207, %broadcast_in_dim3A_45, %scan3A_134 : vector<16xi1>, vector<16xi32>
      %add3A_209 = arith.constant 96 : i32
      %add3A_210 = arith.addi %mul3A_138, %add3A_209 : i32
      %get3A_211 = arith.constant 0 : i32
      %get3A_212 = tpu.memref_slice %arg4[%scan3A, %get3A_211] : memref<2x8192xf32, #tpu.memory_space<vmem>> -> memref<1x8192xf32, #tpu.memory_space<vmem>>
      %get3A_213 = tpu.memref_squeeze %get3A_212 : memref<1x8192xf32, #tpu.memory_space<vmem>> -> memref<8192xf32, #tpu.memory_space<vmem>>
      %get3A_214 = arith.index_cast %add3A_210 : i32 to index
      %get3A_215 = tpu.vector_load %get3A_213[%get3A_214] {strides = array<i32>} : memref<8192xf32, #tpu.memory_space<vmem>>, vector<16xf32>,
      %get3A_216 = vector.shape_cast %get3A_215 : vector<16xf32> to vector<16xf32>
      %le3A_217 = arith.constant 5.000000e-01 : f32
      %le3A_218 = vector.broadcast %le3A_217 : f32 to vector<16xf32>
      %le3A_219 = arith.cmpf ole, %get3A_216, %le3A_218 : vector<16xf32>
      %select_n3A_220 = arith.select %le3A_219, %broadcast_in_dim3A_45, %scan3A_135 : vector<16xi1>, vector<16xi32>
      %add3A_221 = arith.constant 112 : i32
      %add3A_222 = arith.addi %mul3A_138, %add3A_221 : i32
      %get3A_223 = arith.constant 0 : i32
      %get3A_224 = tpu.memref_slice %arg4[%scan3A, %get3A_223] : memref<2x8192xf32, #tpu.memory_space<vmem>> -> memref<1x8192xf32, #tpu.memory_space<vmem>>
      %get3A_225 = tpu.memref_squeeze %get3A_224 : memref<1x8192xf32, #tpu.memory_space<vmem>> -> memref<8192xf32, #tpu.memory_space<vmem>>
      %get3A_226 = arith.index_cast %add3A_222 : i32 to index
      %get3A_227 = tpu.vector_load %get3A_225[%get3A_226] {strides = array<i32>} : memref<8192xf32, #tpu.memory_space<vmem>>, vector<16xf32>,
      %get3A_228 = vector.shape_cast %get3A_227 : vector<16xf32> to vector<16xf32>
      %le3A_229 = arith.constant 5.000000e-01 : f32
      %le3A_230 = vector.broadcast %le3A_229 : f32 to vector<16xf32>
      %le3A_231 = arith.cmpf ole, %get3A_228, %le3A_230 : vector<16xf32>
      %select_n3A_232 = arith.select %le3A_231, %broadcast_in_dim3A_45, %scan3A_136 : vector<16xi1>, vector<16xi32>
      scf.yield %select_n3A_148, %select_n3A_160, %select_n3A_172, %select_n3A_184, %select_n3A_196, %select_n3A_208, %select_n3A_220, %select_n3A_232 : vector<16xi32>, vector<16xi32>, vector<16xi32>, vector<16xi32>, vector<16xi32>, vector<16xi32>, vector<16xi32>, vector<16xi32>
    }
    %scan3A_92 = arith.constant 64 : i32
    %add3A_93 = arith.constant 8192 : i32
    %add3A_94 = arith.addi %mul3A_32, %add3A_93 : i32
    %dma_wait3A_95 = arith.constant 1 : i32
    %dma_wait3A_96 = arith.constant 0 : i32
    %dma_wait3A_97 = tpu.memref_slice %arg4[%dma_wait3A_95, %dma_wait3A_96] : memref<2x8192xf32, #tpu.memory_space<vmem>> -> memref<1x8192xf32, #tpu.memory_space<vmem>>
    %dma_wait3A_98 = tpu.memref_squeeze %dma_wait3A_97 : memref<1x8192xf32, #tpu.memory_space<vmem>> -> memref<8192xf32, #tpu.memory_space<vmem>>
    %dma_wait3A_99 = tpu.memref_slice %arg2[%select_n3A, %add3A_94] : memref<64x32768xf32, #tpu.memory_space<hbm>> -> memref<1x8192xf32, #tpu.memory_space<hbm>>
    %dma_wait3A_100 = tpu.memref_squeeze %dma_wait3A_99 : memref<1x8192xf32, #tpu.memory_space<hbm>> -> memref<8192xf32, #tpu.memory_space<hbm>>
    %dma_wait3A_101 = arith.constant 0 : i32
    %dma_wait3A_102 = tpu.memref_slice %arg4[%dma_wait3A_95, %dma_wait3A_101] : memref<2x8192xf32, #tpu.memory_space<vmem>> -> memref<1x8192xf32, #tpu.memory_space<vmem>>
    %dma_wait3A_103 = tpu.memref_squeeze %dma_wait3A_102 : memref<1x8192xf32, #tpu.memory_space<vmem>> -> memref<8192xf32, #tpu.memory_space<vmem>>
    %dma_wait3A_104 = tpu.memref_slice %arg2[%select_n3A, %add3A_94] : memref<64x32768xf32, #tpu.memory_space<hbm>> -> memref<1x8192xf32, #tpu.memory_space<hbm>>
    %dma_wait3A_105 = tpu.memref_squeeze %dma_wait3A_104 : memref<1x8192xf32, #tpu.memory_space<hbm>> -> memref<8192xf32, #tpu.memory_space<hbm>>
    tpu.wait_dma2 semaphore(%arg7 : memref<!tpu.dma_semaphore, #tpu.memory_space<semaphore_mem>>) src(%dma_wait3A_105 : memref<8192xf32, #tpu.memory_space<hbm>>) dst(%dma_wait3A_103 : memref<8192xf32, #tpu.memory_space<vmem>>)
    %scan3A_106 = arith.constant 1 : i32
    %scan3A_107 = arith.constant 0 : i32
    %scan3A_108 = arith.constant 64 : i32
    %scan3A_109 = arith.addi %scan3A_107, %scan3A_108 : i32
    %scan3A_110 = arith.constant 1 : i32
    %scan3A_111:8 = scf.for %scan3A_128 = %scan3A_107 to %scan3A_109 step %scan3A_110 iter_args(%scan3A_129 = %scan3A_91#0, %scan3A_130 = %scan3A_91#1, %scan3A_131 = %scan3A_91#2, %scan3A_132 = %scan3A_91#3, %scan3A_133 = %scan3A_91#4, %scan3A_134 = %scan3A_91#5, %scan3A_135 = %scan3A_91#6, %scan3A_136 = %scan3A_91#7) -> (vector<16xi32>, vector<16xi32>, vector<16xi32>, vector<16xi32>, vector<16xi32>, vector<16xi32>, vector<16xi32>, vector<16xi32>)  : i32 {
      %mul3A_137 = arith.constant 128 : i32
      %mul3A_138 = arith.muli %scan3A_128, %mul3A_137 : i32
      %add3A_139 = arith.constant 0 : i32
      %add3A_140 = arith.addi %mul3A_138, %add3A_139 : i32
      %get3A = arith.constant 0 : i32
      %get3A_141 = tpu.memref_slice %arg4[%scan3A_106, %get3A] : memref<2x8192xf32, #tpu.memory_space<vmem>> -> memref<1x8192xf32, #tpu.memory_space<vmem>>
      %get3A_142 = tpu.memref_squeeze %get3A_141 : memref<1x8192xf32, #tpu.memory_space<vmem>> -> memref<8192xf32, #tpu.memory_space<vmem>>
      %get3A_143 = arith.index_cast %add3A_140 : i32 to index
      %get3A_144 = tpu.vector_load %get3A_142[%get3A_143] {strides = array<i32>} : memref<8192xf32, #tpu.memory_space<vmem>>, vector<16xf32>,
      %get3A_145 = vector.shape_cast %get3A_144 : vector<16xf32> to vector<16xf32>
      %le3A = arith.constant 5.000000e-01 : f32
      %le3A_146 = vector.broadcast %le3A : f32 to vector<16xf32>
      %le3A_147 = arith.cmpf ole, %get3A_145, %le3A_146 : vector<16xf32>
      %select_n3A_148 = arith.select %le3A_147, %broadcast_in_dim3A_45, %scan3A_129 : vector<16xi1>, vector<16xi32>
      %add3A_149 = arith.constant 16 : i32
      %add3A_150 = arith.addi %mul3A_138, %add3A_149 : i32
      %get3A_151 = arith.constant 0 : i32
      %get3A_152 = tpu.memref_slice %arg4[%scan3A_106, %get3A_151] : memref<2x8192xf32, #tpu.memory_space<vmem>> -> memref<1x8192xf32, #tpu.memory_space<vmem>>
      %get3A_153 = tpu.memref_squeeze %get3A_152 : memref<1x8192xf32, #tpu.memory_space<vmem>> -> memref<8192xf32, #tpu.memory_space<vmem>>
      %get3A_154 = arith.index_cast %add3A_150 : i32 to index
      %get3A_155 = tpu.vector_load %get3A_153[%get3A_154] {strides = array<i32>} : memref<8192xf32, #tpu.memory_space<vmem>>, vector<16xf32>,
      %get3A_156 = vector.shape_cast %get3A_155 : vector<16xf32> to vector<16xf32>
      %le3A_157 = arith.constant 5.000000e-01 : f32
      %le3A_158 = vector.broadcast %le3A_157 : f32 to vector<16xf32>
      %le3A_159 = arith.cmpf ole, %get3A_156, %le3A_158 : vector<16xf32>
      %select_n3A_160 = arith.select %le3A_159, %broadcast_in_dim3A_45, %scan3A_130 : vector<16xi1>, vector<16xi32>
      %add3A_161 = arith.constant 32 : i32
      %add3A_162 = arith.addi %mul3A_138, %add3A_161 : i32
      %get3A_163 = arith.constant 0 : i32
      %get3A_164 = tpu.memref_slice %arg4[%scan3A_106, %get3A_163] : memref<2x8192xf32, #tpu.memory_space<vmem>> -> memref<1x8192xf32, #tpu.memory_space<vmem>>
      %get3A_165 = tpu.memref_squeeze %get3A_164 : memref<1x8192xf32, #tpu.memory_space<vmem>> -> memref<8192xf32, #tpu.memory_space<vmem>>
      %get3A_166 = arith.index_cast %add3A_162 : i32 to index
      %get3A_167 = tpu.vector_load %get3A_165[%get3A_166] {strides = array<i32>} : memref<8192xf32, #tpu.memory_space<vmem>>, vector<16xf32>,
      %get3A_168 = vector.shape_cast %get3A_167 : vector<16xf32> to vector<16xf32>
      %le3A_169 = arith.constant 5.000000e-01 : f32
      %le3A_170 = vector.broadcast %le3A_169 : f32 to vector<16xf32>
      %le3A_171 = arith.cmpf ole, %get3A_168, %le3A_170 : vector<16xf32>
      %select_n3A_172 = arith.select %le3A_171, %broadcast_in_dim3A_45, %scan3A_131 : vector<16xi1>, vector<16xi32>
      %add3A_173 = arith.constant 48 : i32
      %add3A_174 = arith.addi %mul3A_138, %add3A_173 : i32
      %get3A_175 = arith.constant 0 : i32
      %get3A_176 = tpu.memref_slice %arg4[%scan3A_106, %get3A_175] : memref<2x8192xf32, #tpu.memory_space<vmem>> -> memref<1x8192xf32, #tpu.memory_space<vmem>>
      %get3A_177 = tpu.memref_squeeze %get3A_176 : memref<1x8192xf32, #tpu.memory_space<vmem>> -> memref<8192xf32, #tpu.memory_space<vmem>>
      %get3A_178 = arith.index_cast %add3A_174 : i32 to index
      %get3A_179 = tpu.vector_load %get3A_177[%get3A_178] {strides = array<i32>} : memref<8192xf32, #tpu.memory_space<vmem>>, vector<16xf32>,
      %get3A_180 = vector.shape_cast %get3A_179 : vector<16xf32> to vector<16xf32>
      %le3A_181 = arith.constant 5.000000e-01 : f32
      %le3A_182 = vector.broadcast %le3A_181 : f32 to vector<16xf32>
      %le3A_183 = arith.cmpf ole, %get3A_180, %le3A_182 : vector<16xf32>
      %select_n3A_184 = arith.select %le3A_183, %broadcast_in_dim3A_45, %scan3A_132 : vector<16xi1>, vector<16xi32>
      %add3A_185 = arith.constant 64 : i32
      %add3A_186 = arith.addi %mul3A_138, %add3A_185 : i32
      %get3A_187 = arith.constant 0 : i32
      %get3A_188 = tpu.memref_slice %arg4[%scan3A_106, %get3A_187] : memref<2x8192xf32, #tpu.memory_space<vmem>> -> memref<1x8192xf32, #tpu.memory_space<vmem>>
      %get3A_189 = tpu.memref_squeeze %get3A_188 : memref<1x8192xf32, #tpu.memory_space<vmem>> -> memref<8192xf32, #tpu.memory_space<vmem>>
      %get3A_190 = arith.index_cast %add3A_186 : i32 to index
      %get3A_191 = tpu.vector_load %get3A_189[%get3A_190] {strides = array<i32>} : memref<8192xf32, #tpu.memory_space<vmem>>, vector<16xf32>,
      %get3A_192 = vector.shape_cast %get3A_191 : vector<16xf32> to vector<16xf32>
      %le3A_193 = arith.constant 5.000000e-01 : f32
      %le3A_194 = vector.broadcast %le3A_193 : f32 to vector<16xf32>
      %le3A_195 = arith.cmpf ole, %get3A_192, %le3A_194 : vector<16xf32>
      %select_n3A_196 = arith.select %le3A_195, %broadcast_in_dim3A_45, %scan3A_133 : vector<16xi1>, vector<16xi32>
      %add3A_197 = arith.constant 80 : i32
      %add3A_198 = arith.addi %mul3A_138, %add3A_197 : i32
      %get3A_199 = arith.constant 0 : i32
      %get3A_200 = tpu.memref_slice %arg4[%scan3A_106, %get3A_199] : memref<2x8192xf32, #tpu.memory_space<vmem>> -> memref<1x8192xf32, #tpu.memory_space<vmem>>
      %get3A_201 = tpu.memref_squeeze %get3A_200 : memref<1x8192xf32, #tpu.memory_space<vmem>> -> memref<8192xf32, #tpu.memory_space<vmem>>
      %get3A_202 = arith.index_cast %add3A_198 : i32 to index
      %get3A_203 = tpu.vector_load %get3A_201[%get3A_202] {strides = array<i32>} : memref<8192xf32, #tpu.memory_space<vmem>>, vector<16xf32>,
      %get3A_204 = vector.shape_cast %get3A_203 : vector<16xf32> to vector<16xf32>
      %le3A_205 = arith.constant 5.000000e-01 : f32
      %le3A_206 = vector.broadcast %le3A_205 : f32 to vector<16xf32>
      %le3A_207 = arith.cmpf ole, %get3A_204, %le3A_206 : vector<16xf32>
      %select_n3A_208 = arith.select %le3A_207, %broadcast_in_dim3A_45, %scan3A_134 : vector<16xi1>, vector<16xi32>
      %add3A_209 = arith.constant 96 : i32
      %add3A_210 = arith.addi %mul3A_138, %add3A_209 : i32
      %get3A_211 = arith.constant 0 : i32
      %get3A_212 = tpu.memref_slice %arg4[%scan3A_106, %get3A_211] : memref<2x8192xf32, #tpu.memory_space<vmem>> -> memref<1x8192xf32, #tpu.memory_space<vmem>>
      %get3A_213 = tpu.memref_squeeze %get3A_212 : memref<1x8192xf32, #tpu.memory_space<vmem>> -> memref<8192xf32, #tpu.memory_space<vmem>>
      %get3A_214 = arith.index_cast %add3A_210 : i32 to index
      %get3A_215 = tpu.vector_load %get3A_213[%get3A_214] {strides = array<i32>} : memref<8192xf32, #tpu.memory_space<vmem>>, vector<16xf32>,
      %get3A_216 = vector.shape_cast %get3A_215 : vector<16xf32> to vector<16xf32>
      %le3A_217 = arith.constant 5.000000e-01 : f32
      %le3A_218 = vector.broadcast %le3A_217 : f32 to vector<16xf32>
      %le3A_219 = arith.cmpf ole, %get3A_216, %le3A_218 : vector<16xf32>
      %select_n3A_220 = arith.select %le3A_219, %broadcast_in_dim3A_45, %scan3A_135 : vector<16xi1>, vector<16xi32>
      %add3A_221 = arith.constant 112 : i32
      %add3A_222 = arith.addi %mul3A_138, %add3A_221 : i32
      %get3A_223 = arith.constant 0 : i32
      %get3A_224 = tpu.memref_slice %arg4[%scan3A_106, %get3A_223] : memref<2x8192xf32, #tpu.memory_space<vmem>> -> memref<1x8192xf32, #tpu.memory_space<vmem>>
      %get3A_225 = tpu.memref_squeeze %get3A_224 : memref<1x8192xf32, #tpu.memory_space<vmem>> -> memref<8192xf32, #tpu.memory_space<vmem>>
      %get3A_226 = arith.index_cast %add3A_222 : i32 to index
      %get3A_227 = tpu.vector_load %get3A_225[%get3A_226] {strides = array<i32>} : memref<8192xf32, #tpu.memory_space<vmem>>, vector<16xf32>,
      %get3A_228 = vector.shape_cast %get3A_227 : vector<16xf32> to vector<16xf32>
      %le3A_229 = arith.constant 5.000000e-01 : f32
      %le3A_230 = vector.broadcast %le3A_229 : f32 to vector<16xf32>
      %le3A_231 = arith.cmpf ole, %get3A_228, %le3A_230 : vector<16xf32>
      %select_n3A_232 = arith.select %le3A_231, %broadcast_in_dim3A_45, %scan3A_136 : vector<16xi1>, vector<16xi32>
      scf.yield %select_n3A_148, %select_n3A_160, %select_n3A_172, %select_n3A_184, %select_n3A_196, %select_n3A_208, %select_n3A_220, %select_n3A_232 : vector<16xi32>, vector<16xi32>, vector<16xi32>, vector<16xi32>, vector<16xi32>, vector<16xi32>, vector<16xi32>, vector<16xi32>
    }
    %scan3A_112 = arith.constant 64 : i32
    %or3A = arith.ori %scan3A_111#0, %scan3A_111#1 : vector<16xi32>
    %or3A_113 = arith.ori %or3A, %scan3A_111#2 : vector<16xi32>
    %or3A_114 = arith.ori %or3A_113, %scan3A_111#3 : vector<16xi32>
    %or3A_115 = arith.ori %or3A_114, %scan3A_111#4 : vector<16xi32>
    %or3A_116 = arith.ori %or3A_115, %scan3A_111#5 : vector<16xi32>
    %or3A_117 = arith.ori %or3A_116, %scan3A_111#6 : vector<16xi32>
    %or3A_118 = arith.ori %or3A_117, %scan3A_111#7 : vector<16xi32>
    %gt3A = arith.constant 0 : i32
    %gt3A_119 = vector.broadcast %gt3A : i32 to vector<16xi32>
    %gt3A_120 = arith.cmpi sgt, %or3A_118, %gt3A_119 : vector<16xi32>
    %broadcast_in_dim3A_121 = vector.broadcast %select_n3A : i32 to vector<16xi32>
    %broadcast_in_dim3A_122 = arith.constant 64 : i32
    %broadcast_in_dim3A_123 = vector.broadcast %broadcast_in_dim3A_122 : i32 to vector<16xi32>
    %select_n3A_124 = arith.select %gt3A_120, %broadcast_in_dim3A_121, %broadcast_in_dim3A_123 : vector<16xi1>, vector<16xi32>
    %swap3A = arith.constant 0 : index
    %swap3A_125 = tpu.vector_load %arg5[%swap3A] {strides = array<i32>} : memref<16xi32, #tpu.memory_space<vmem>>, vector<16xi32>,
    %swap3A_126 = vector.shape_cast %swap3A_125 : vector<16xi32> to vector<16xi32>
    %swap3A_127 = vector.shape_cast %select_n3A_124 : vector<16xi32> to vector<16xi32>
    tpu.vector_store %arg5[%swap3A], %swap3A_127 {strides = array<i32>} : memref<16xi32, #tpu.memory_space<vmem>>, vector<16xi32>,
    "tpu.region"() ({
      %run_scoped3A = tpu.sem_alloc : memref<!tpu.dma_semaphore, #tpu.memory_space<semaphore_mem>>
      %dma_start3A_128 = arith.constant 0 : i32
      %dma_start3A_129 = tpu.memref_slice %arg3[%add3A, %dma_start3A_128] : memref<32x16xi32, #tpu.memory_space<hbm>> -> memref<1x16xi32, #tpu.memory_space<hbm>>
      %dma_start3A_130 = tpu.memref_squeeze %dma_start3A_129 : memref<1x16xi32, #tpu.memory_space<hbm>> -> memref<16xi32, #tpu.memory_space<hbm>>
      %dma_start3A_131 = arith.constant 0 : i32
      %dma_start3A_132 = tpu.memref_slice %arg3[%add3A, %dma_start3A_131] : memref<32x16xi32, #tpu.memory_space<hbm>> -> memref<1x16xi32, #tpu.memory_space<hbm>>
      %dma_start3A_133 = tpu.memref_squeeze %dma_start3A_132 : memref<1x16xi32, #tpu.memory_space<hbm>> -> memref<16xi32, #tpu.memory_space<hbm>>
      tpu.enqueue_dma source(%arg5 : memref<16xi32, #tpu.memory_space<vmem>>) target(%dma_start3A_133 : memref<16xi32, #tpu.memory_space<hbm>>) target_semaphore(%run_scoped3A : memref<!tpu.dma_semaphore, #tpu.memory_space<semaphore_mem>>)
      %dma_wait3A_134 = arith.constant 0 : i32
      %dma_wait3A_135 = tpu.memref_slice %arg3[%add3A, %dma_wait3A_134] : memref<32x16xi32, #tpu.memory_space<hbm>> -> memref<1x16xi32, #tpu.memory_space<hbm>>
      %dma_wait3A_136 = tpu.memref_squeeze %dma_wait3A_135 : memref<1x16xi32, #tpu.memory_space<hbm>> -> memref<16xi32, #tpu.memory_space<hbm>>
      %dma_wait3A_137 = arith.constant 0 : i32
      %dma_wait3A_138 = tpu.memref_slice %arg3[%add3A, %dma_wait3A_137] : memref<32x16xi32, #tpu.memory_space<hbm>> -> memref<1x16xi32, #tpu.memory_space<hbm>>
      %dma_wait3A_139 = tpu.memref_squeeze %dma_wait3A_138 : memref<1x16xi32, #tpu.memory_space<hbm>> -> memref<16xi32, #tpu.memory_space<hbm>>
      tpu.wait_dma2 semaphore(%run_scoped3A : memref<!tpu.dma_semaphore, #tpu.memory_space<semaphore_mem>>) src(%arg5 : memref<16xi32, #tpu.memory_space<vmem>>) dst(%dma_wait3A_139 : memref<16xi32, #tpu.memory_space<hbm>>)
      tpu.yield
    }) : () -> ()
    return
  }
}

module attributes {stable_mosaic.version = 14 : i64} {
  func.func @_merge_body(%arg0: memref<32x16xi32, #tpu.memory_space<vmem>>, %arg1: memref<1x1xi32, #tpu.memory_space<vmem>>, %arg2: memref<1xi32, #tpu.memory_space<smem>>) attributes {dimension_semantics = [], scalar_prefetch = 0 : i64, scratch_operands = 0 : i64, tpu.core_type = #tpu.core_type<tc>} {
    %get3A = arith.constant 0 : index
    %get3A_0 = arith.constant 0 : index
    %get3A_1 = vector.load %arg0[%get3A, %get3A_0] : memref<32x16xi32, #tpu.memory_space<vmem>>, vector<32x16xi32>
    %reduce_min3A = vector.shape_cast %get3A_1 : vector<32x16xi32> to vector<1x32x16xi32>
    %reduce_min3A_2 = arith.constant dense<2147483647> : vector<1xi32>
    %reduce_min3A_3 = vector.multi_reduction <minsi>, %reduce_min3A, %reduce_min3A_2 [1, 2] : vector<1x32x16xi32> to vector<1xi32>
    %reduce_min3A_4 = vector.shape_cast %reduce_min3A_3 : vector<1xi32> to vector<1x1x1xi32>
    %reduce_min3A_5 = vector.extract %reduce_min3A_4[0, 0, 0] : i32 from vector<1x1x1xi32>
    %get3A_6 = arith.constant 0 : index
    %get3A_7 = arith.constant 0 : index
    %get3A_8 = vector.load %arg1[%get3A_6, %get3A_7] : memref<1x1xi32, #tpu.memory_space<vmem>>, vector<1x1xi32>
    %reduce_min3A_9 = vector.shape_cast %get3A_8 : vector<1x1xi32> to vector<1x1x1xi32>
    %reduce_min3A_10 = arith.constant dense<2147483647> : vector<1xi32>
    %reduce_min3A_11 = vector.multi_reduction <minsi>, %reduce_min3A_9, %reduce_min3A_10 [1, 2] : vector<1x1x1xi32> to vector<1xi32>
    %reduce_min3A_12 = vector.shape_cast %reduce_min3A_11 : vector<1xi32> to vector<1x1x1xi32>
    %reduce_min3A_13 = vector.extract %reduce_min3A_12[0, 0, 0] : i32 from vector<1x1x1xi32>
    %min3A = arith.minsi %reduce_min3A_5, %reduce_min3A_13 : i32
    %ge3A = arith.constant 64 : i32
    %ge3A_14 = arith.cmpi sge, %min3A, %ge3A : i32
    %jit3A = arith.constant 0 : i32
    %select_n3A = arith.select %ge3A_14, %jit3A, %min3A : i32
    %add3A = arith.constant 2 : i32
    %add3A_15 = arith.addi %select_n3A, %add3A : i32
    %swap3A = arith.constant 0 : index
    %swap3A_16 = memref.load %arg2[%swap3A] : memref<1xi32, #tpu.memory_space<smem>>
    memref.store %add3A_15, %arg2[%swap3A] : memref<1xi32, #tpu.memory_space<smem>>
    return
  }
}

module attributes {stable_mosaic.version = 14 : i64} {
  func.func @_tc_scan_body(%arg0: i32, %arg1: memref<16x32768xf32, #tpu.memory_space<vmem>>, %arg2: memref<1x1xi32, #tpu.memory_space<vmem>>) attributes {dimension_semantics = [#tpu.dimension_semantics<arbitrary>], iteration_bounds = array<i64: 3>, scalar_prefetch = 0 : i64, scratch_operands = 0 : i64, tpu.core_type = #tpu.core_type<tc>, window_params = [{transform_indices = @transform_0, window_bounds = array<i64: 16, 32768>}, {pipeline_mode = #tpu.pipeline_mode<synchronous>, transform_indices = @transform_1, window_bounds = array<i64: 1, 1>}]} {
    %get3A = arith.constant 0 : index
    %get3A_0 = arith.constant 0 : index
    %get3A_1 = vector.load %arg1[%get3A, %get3A_0] : memref<16x32768xf32, #tpu.memory_space<vmem>>, vector<16x32768xf32>
    %le3A = arith.constant 5.000000e-01 : f32
    %le3A_2 = vector.broadcast %le3A : f32 to vector<16x32768xf32>
    %le3A_3 = arith.cmpf ole, %get3A_1, %le3A_2 : vector<16x32768xf32>
    %reduce_or3A = arith.constant 1.000000e+00 : f32
    %reduce_or3A_4 = arith.constant 0.000000e+00 : f32
    %reduce_or3A_5 = vector.broadcast %reduce_or3A : f32 to vector<16x32768xf32>
    %reduce_or3A_6 = vector.broadcast %reduce_or3A_4 : f32 to vector<16x32768xf32>
    %reduce_or3A_7 = arith.select %le3A_3, %reduce_or3A_5, %reduce_or3A_6 : vector<16x32768xi1>, vector<16x32768xf32>
    %reduce_or3A_8 = arith.constant dense<0xFF800000> : vector<16xf32>
    %reduce_or3A_9 = vector.multi_reduction <maximumf>, %reduce_or3A_7, %reduce_or3A_8 [1] : vector<16x32768xf32> to vector<16xf32>
    %reduce_or3A_10 = arith.constant 0.000000e+00 : f32
    %reduce_or3A_11 = vector.broadcast %reduce_or3A_10 : f32 to vector<16xf32>
    %reduce_or3A_12 = arith.cmpf ogt, %reduce_or3A_9, %reduce_or3A_11 : vector<16xf32>
    %broadcast_in_dim3A = vector.shape_cast %reduce_or3A_12 : vector<16xi1> to vector<16x1xi1>
    %iota3A = tpu.iota {dimensions = array<i32: 0>} : vector<16x1xi32>
    %add3A = arith.constant 16 : i32
    %add3A_13 = vector.broadcast %add3A : i32 to vector<16x1xi32>
    %add3A_14 = arith.addi %iota3A, %add3A_13 : vector<16x1xi32>
    %mul3A = arith.constant 16 : i32
    %mul3A_15 = arith.muli %arg0, %mul3A : i32
    %add3A_16 = vector.broadcast %mul3A_15 : i32 to vector<16x1xi32>
    %add3A_17 = arith.addi %add3A_14, %add3A_16 : vector<16x1xi32>
    %jit3A = arith.constant 64 : i32
    %broadcast_in_dim3A_18 = vector.broadcast %jit3A : i32 to vector<16x1xi32>
    %select_n3A = arith.select %broadcast_in_dim3A, %add3A_17, %broadcast_in_dim3A_18 : vector<16x1xi1>, vector<16x1xi32>
    %reduce_min3A = vector.shape_cast %select_n3A : vector<16x1xi32> to vector<1x16x1xi32>
    %reduce_min3A_19 = arith.constant dense<2147483647> : vector<1xi32>
    %reduce_min3A_20 = vector.multi_reduction <minsi>, %reduce_min3A, %reduce_min3A_19 [1, 2] : vector<1x16x1xi32> to vector<1xi32>
    %reduce_min3A_21 = vector.shape_cast %reduce_min3A_20 : vector<1xi32> to vector<1x1x1xi32>
    %reduce_min3A_22 = vector.extract %reduce_min3A_21[0, 0, 0] : i32 from vector<1x1x1xi32>
    %broadcast_in_dim3A_23 = vector.broadcast %reduce_min3A_22 : i32 to vector<1x1xi32>
    %eq3A = arith.constant 0 : i32
    %eq3A_24 = arith.cmpi eq, %arg0, %eq3A : i32
    %convert_element_type3A = arith.extui %eq3A_24 : i1 to i32
    %cond3A = arith.constant 0 : i32
    %cond3A_25 = arith.cmpi ne, %convert_element_type3A, %cond3A : i32
    scf.if %cond3A_25 {
      %swap3A = arith.constant 0 : index
      %swap3A_30 = arith.constant 0 : index
      %swap3A_31 = vector.load %arg2[%swap3A, %swap3A_30] : memref<1x1xi32, #tpu.memory_space<vmem>>, vector<1x1xi32>
      tpu.vector_store %arg2[%swap3A, %swap3A_30], %broadcast_in_dim3A_23 {strides = array<i32>} : memref<1x1xi32, #tpu.memory_space<vmem>>, vector<1x1xi32>,
    } else {
    }
    %gt3A = arith.constant 0 : i32
    %gt3A_26 = arith.cmpi sgt, %arg0, %gt3A : i32
    %convert_element_type3A_27 = arith.extui %gt3A_26 : i1 to i32
    %cond3A_28 = arith.constant 0 : i32
    %cond3A_29 = arith.cmpi ne, %convert_element_type3A_27, %cond3A_28 : i32
    scf.if %cond3A_29 {
      %get3A_30 = arith.constant 0 : index
      %get3A_31 = arith.constant 0 : index
      %get3A_32 = vector.load %arg2[%get3A_30, %get3A_31] : memref<1x1xi32, #tpu.memory_space<vmem>>, vector<1x1xi32>
      %min3A = arith.minsi %get3A_32, %broadcast_in_dim3A_23 : vector<1x1xi32>
      %swap3A = arith.constant 0 : index
      %swap3A_33 = arith.constant 0 : index
      %swap3A_34 = vector.load %arg2[%swap3A, %swap3A_33] : memref<1x1xi32, #tpu.memory_space<vmem>>, vector<1x1xi32>
      tpu.vector_store %arg2[%swap3A, %swap3A_33], %min3A {strides = array<i32>} : memref<1x1xi32, #tpu.memory_space<vmem>>, vector<1x1xi32>,
    } else {
    }
    return
  }
  func.func @transform_0(%arg0: i32) -> (i32, i32) {
    %add3A = arith.constant 1 : i32
    %add3A_0 = arith.addi %arg0, %add3A : i32
    %c0_i32 = arith.constant 0 : i32
    %c0_i32_1 = arith.constant 0 : i32
    return %add3A_0, %c0_i32 : i32, i32
  }
  func.func @transform_1(%arg0: i32) -> (i32, i32) {
    %c0_i32 = arith.constant 0 : i32
    %c0_i32_0 = arith.constant 0 : i32
    %c0_i32_1 = arith.constant 0 : i32
    return %c0_i32, %c0_i32_0 : i32, i32
  }
}

</mosaic_0001>

<sc_bundles>
// kernel: kernel.5.cloned.1.call-start
scs
__scs_entry_jumppad:
0x0: {  	(pc) =	sbr.rel $0x88, $3  }
0x1: {  	(tag) =	ssettag $0x0;
	lr =	simm.s32 $0x1  }
0x2: {  	[smem:$0x3FA0] =	sst lr;
	_ =	strace $0xD0000000  }
0x3: {  	_ = 	snop  }
0x4: {  	_ = 	snop  }
0x5: {  	_ = 	snop  }
0x6: {  	_ = 	snop  }
0x7: {  	_ = 	snop  }
__scs_overlays_trampoline_lowered:
0x8: {  	[smem:$0x3FAF] =	sst s0  }
0x9: {  	[smem:$0x3FB0] =	sst s1  }
0xa: {  	[smem:$0x3FB1] =	sst s2  }
0xb: {  	[smem:$0x3FB2] =	sst s3  }
0xc: {  	[smem:$0x3FB3] =	sst s4  }
0xd: {  	[smem:$0x3FB4] =	sst s5  }
0xe: {  	[smem:$0x3FB5] =	sst s6  }
0xf: {  	[smem:$0x3FB6] =	sst s7  }
0x10: {  	[smem:$0x3FB7] =	sst s8  }
0x11: {  	[smem:$0x3FB8] =	sst s9;
	s0 =	simm.s32 @!p0 $0x0  }
0x12: {  	s1 =	sld [smem:$0x3F9E];
	s0 =	simm.s32 @p0 $0x1  }
0x13: {  	[smem:$0x3FB9] =	sst s0;
	s0 =	simm.s32 @!p1 $0x0  }
0x14: {  	s2 =	sld [smem:$0x3F9D];
	s0 =	simm.s32 @p1 $0x1  }
0x15: {  	[smem:$0x3FBA] =	sst s0;
	s0 =	simm.s32 @!p2 $0x0  }
0x16: {  	s3 =	sld [smem:$0x3FDB];
	s0 =	simm.s32 @p2 $0x1  }
0x17: {  	s4 =	simm.s32 $0x1BF5;
	[smem:$0x3FBC] =	sst s0  }
0x18: {  	s0 =	sld [smem:$0x3F9F];
	_ =	swait.ge [sflag:s4], $0x0  }
0x19: {  	s7 =	sld [smem:$0x3FA0]  }
0x1a: {  	s8 =	sadd.s32 $0xFFFFE003, lr  }
0x1b: {  	s9 =	sadd.s32 $0xFFFFFEF7, lr;
	s5 =	simm.s32 $0xFFFFFFFF;
	p2 =	slt.u32 s8, $0xFFFFF086  }
0x1c: {  	p1 =	slt.u32 s9, $0xF7A;
	s5 =	simm.s32 @!p2 $0x0  }
0x1d: {  	s5 =	simm.s32 @p1 $0x1;
	p0 =	seq.s32 s7, s2  }
0x1e: {  	s7 =	smul.u32 @!p0 $0xF7A, s2;
	p2 =	seq.s32 @!p0 s5, $0x0  }
0x1f: {  	s9 =	smul.u32 $0xF7A, s1;
	s8 =	simm.s32 @!p0 $0x1BF5;
	p2 =	por !p2, p0  }
0x20: {  	[sflag:s8] =	ssyncset.s32 @!p0 $0xFFFFF086;
	s6 =	sadd.s32 @!p0 s3, s7;
	s7 =	simm.s32 @!p0 $0x108  }
0x21: {  	s3 =	sadd.s32 s3, s9;
	s6 =	sadd.s32 @!p0 $0x88, s6;
	s7 =	simm.s32 @p2 $0x1082  }
0x22: {  	[simem:s7], [sflag:s8] =	dma.local @!p0 [hbm:s6], $0xF7A  }
0x23: {  	s9 =	sor.u32 $0xD0000000, s2;
	s6 =	simm.s32 $0x108;
	_ =	swait.ge @!p0 [sflag:s8], $0x0  }
0x24: {  	s3 =	sadd.s32 $0x88, s3;
	s6 =	simm.s32 @!p1 $0x1082;
	[sflag:s4] =	ssyncset.s32 $0xFFFFF086  }
0x25: {  	[simem:s6], [sflag:s4] =	dma.local [hbm:s3], $0xF7A  }
0x26: {  	[smem:$0x3FA0] =	sst s1;
	(tag) =	ssettag s2;
	_ =	strace s9  }
0x27: {  	s1 =	sld [smem:$0x3FB0]  }
0x28: {  	s2 =	sld [smem:$0x3FB1]  }
0x29: {  	s4 =	sld [smem:$0x3FB3]  }
0x2a: {  	p0 =	seq.s32 s5, $0x0;
	s5 =	sld [smem:$0x3FB4]  }
0x2b: {  	s6 =	sld [smem:$0x3FB5]  }
0x2c: {  	s7 =	sld [smem:$0x3FB6]  }
0x2d: {  	s3 =	simm.s32 $0x108;
	s8 =	sld [smem:$0x3FB7]  }
0x2e: {  	s3 =	simm.s32 @!p0 $0x1082;
	s9 =	sld [smem:$0x3FB8]  }
0x2f: {  	lr =	sadd.s32 s0, s3;
	s0 =	sld [smem:$0x3FAF]  }
0x30: {  	s3 =	sld [smem:$0x3FB2]  }
0x31: {  	[smem:$0x3FBB] =	sst s10  }
0x32: {  	s10 =	sld [smem:$0x3FB9];
	_ =	sdelay $0x3  }
0x33: {  	p0 =	seq.s32 s10, $0x1;
	s10 =	sld [smem:$0x3FBB];
	_ =	sdelay $0x3  }
0x34: {  	[smem:$0x3FBB] =	sst s10  }
0x35: {  	s10 =	sld [smem:$0x3FBA];
	_ =	sdelay $0x3  }
0x36: {  	p1 =	seq.s32 s10, $0x1;
	s10 =	sld [smem:$0x3FBB];
	_ =	sdelay $0x3  }
0x37: {  	[smem:$0x3FBB] =	sst s10  }
0x38: {  	s10 =	sld [smem:$0x3FBC]  }
0x39: {  	_ = 	snop;
	(pc) =	sbr.ind lr, $3  }
0x3a: {  	_ = 	snop  }
0x3b: {  	_ = 	snop  }
0x3c: {  	p2 =	seq.s32 s10, $0x1;
	s10 =	sld [smem:$0x3FBB]  }
0x3d: {  	_ =	shalt  }
0x3e: {  	_ =	shalt  }
0x3f: {  	_ =	shalt  }
0x40: {  	_ =	shalt  }
0x41: {  	_ =	shalt  }
0x42: {  	_ =	shalt  }
0x43: {  	_ =	shalt  }
0x44: {  	_ =	shalt  }
0x45: {  	_ =	shalt  }
0x46: {  	_ =	shalt  }
0x47: {  	_ =	shalt  }
0x48: {  	_ =	shalt  }
0x49: {  	_ =	shalt  }
0x4a: {  	_ =	shalt  }
0x4b: {  	_ =	shalt  }
0x4c: {  	_ =	shalt  }
0x4d: {  	_ =	shalt  }
0x4e: {  	_ =	shalt  }
0x4f: {  	_ =	shalt  }
0x50: {  	_ =	shalt  }
0x51: {  	_ =	shalt  }
0x52: {  	_ =	shalt  }
0x53: {  	_ =	shalt  }
0x54: {  	_ =	shalt  }
0x55: {  	_ =	shalt  }
0x56: {  	_ =	shalt  }
0x57: {  	_ =	shalt  }
0x58: {  	_ =	shalt  }
0x59: {  	_ =	shalt  }
0x5a: {  	_ =	shalt  }
0x5b: {  	_ =	shalt  }
0x5c: {  	_ =	shalt  }
0x5d: {  	_ =	shalt  }
0x5e: {  	_ =	shalt  }
0x5f: {  	_ =	shalt  }
0x60: {  	_ =	shalt  }
0x61: {  	_ =	shalt  }
0x62: {  	_ =	shalt  }
0x63: {  	_ =	shalt  }
0x64: {  	_ =	shalt  }
0x65: {  	_ =	shalt  }
0x66: {  	_ =	shalt  }
0x67: {  	_ =	shalt  }
0x68: {  	_ =	shalt  }
0x69: {  	_ =	shalt  }
0x6a: {  	_ =	shalt  }
0x6b: {  	_ =	shalt  }
0x6c: {  	_ =	shalt  }
0x6d: {  	_ =	shalt  }
0x6e: {  	_ =	shalt  }
0x6f: {  	_ =	shalt  }
0x70: {  	_ =	shalt  }
0x71: {  	_ =	shalt  }
0x72: {  	_ =	shalt  }
0x73: {  	_ =	shalt  }
0x74: {  	_ =	shalt  }
0x75: {  	_ =	shalt  }
0x76: {  	_ =	shalt  }
0x77: {  	_ =	shalt  }
0x78: {  	_ =	shalt  }
0x79: {  	_ =	shalt  }
0x7a: {  	_ =	shalt  }
0x7b: {  	_ =	shalt  }
0x7c: {  	_ =	shalt  }
0x7d: {  	_ =	shalt  }
0x7e: {  	_ =	shalt  }
0x7f: {  	_ =	shalt  }
0x80: {  	_ =	shalt  }
0x81: {  	_ =	shalt  }
0x82: {  	_ =	shalt  }
0x83: {  	_ =	shalt  }
0x84: {  	_ =	shalt  }
0x85: {  	_ =	shalt  }
0x86: {  	_ =	shalt  }
0x87: {  	_ =	shalt  }
.Lfunc_end0:
.L_simem_size_0:
called_computation_lowered:
.L_overlay_start_0:
0x88: {  	s2 =	sld [smem:$0x3FD9]  }
0x89: {  	s3 =	sld [smem:$0x3FFE];
	_ =	sdelay $0x1  }
0x8a: {  	s1 =	srdreg.scid  }
0x8b: {  	s0 =	sand.u32 $0x1, s1  }
0x8c: {  	s17 =	sshll.u32 s0, $0xA;
	s2 =	sadd.s32 s3, s2  }
0x8d: {  	s2 =	sadd.s32 s2, s17  }
0x8e: {  	[smem:$0x3FC7] =	sst s2  }
0x8f: {  	_ = 	snop  }
0x90: {  	s2 =	sld [smem:$0x3FC9];
	(tm) =	ssettm $0x1  }
0x91: {  	s18 =	sld [smem:$0x3FFB];
	_ =	sdelay $0x3  }
0x92: {  	_ =	strace s18  }
0x93: {  	s3 =	sld [smem:$0x3FFC];
	_ =	sdelay $0x3  }
0x94: {  	_ =	strace s3  }
0x95: {  	s3 =	sld [smem:$0x3FFD];
	_ =	sdelay $0x3  }
0x96: {  	_ =	strace s3  }
0x97: {  	_ =	strace $0x8FFFFFFF  }
0x98: {  	s19 =	sld [smem:$0x3FDB];
	_ =	sdelay $0x1  }
0x99: {  	s4 =	simm.s32 $_scs_section_size  }
0x9a: {  	s5 =	simm.s32 $_size__tile_overlayer_lowered;
	s6 =	simm.s32 $_tile_overlayer_lowered  }
0x9b: {  	s22 =	simm.s32 $0x1BFF;
	s21 =	sshll.u32 s6, $0x1;
	s3 =	sadd.s32 s4, s19  }
0x9c: {  	s7 =	simm.s32 $0x0;
	s20 =	sshll.u32 s5, $0x1;
	s5 =	sadd.s32 s21, s3  }
0x9d: {  	[timem:s7], [sflag:s22] =	dma.local [hbm:s5], s20  }
0x9e: {  	_ =	swait.ge [sflag:s22], s20  }
0x9f: {  	s4 =	ssub.s32 $0x0, s20;
	[sflag:s22] =	ssyncset.done $0x0  }
0xa0: {  	[sflag:s22] =	ssyncadd.s32 s4;
	_ =	sdelay $0x1  }
0xa1: {  	s23 =	simm.s32 $0x1B8B  }
0xa2: {  	_ =	swait.ge [sflag:s23], $0x1  }
0xa3: {  	[sflag:s23] =	ssyncset.done $0x0  }
0xa4: {  	s25 =	simm.s32 $0x1B8E;
	s24 =	sld [smem:$0x3FFE];
	[sflag:s23] =	ssyncadd.s32 $0xFFFFFFFF  }
0xa5: {  	s26 =	simm.s32 $execute0_lowered;
	[smem:$0x3FD2] =	sst s25  }
0xa6: {  	s5 =	sshll.u32 s26, $0x1;
	_ =	strace $0x80000046;
	[dreg:$0x1] =	wrdreg $0xFFFFFFFF  }
0xa7: {  	s28 =	simm.s32 $_size_execute0_lowered;
	s3 =	sadd.s32 s3, s5;
	[dreg:$0x0] =	wrdreg $0x0  }
0xa8: {  	s5 =	sshll.u32 s28, $0x1;
	[dreg:$0x2] =	wrdreg s3  }
0xa9: {  	[dreg:$0x3] =	wrdreg s5  }
0xaa: {  	[dreg:$0x4] =	wrdreg $0xC0  }
0xab: {  	_ =	task [dreg:s7], $0x5FFFF  }
0xac: {  	[dreg:$0x1] =	wrdreg $0xFFFFFFFF  }
0xad: {  	[dreg:$0x0] =	wrdreg $0x60  }
0xae: {  	[dreg:$0x2] =	wrdreg s2  }
0xaf: {  	[dreg:$0x3] =	wrdreg s24  }
0xb0: {  	[dreg:$0x4] =	wrdreg $0x9  }
0xb1: {  	_ =	task.clear_ibuf [dreg:s7], $0x5FFFF;
	_ =	strace $0x90000046  }
0xb2: {  	s29 =	simm.s32 $0x9;
	_ =	strace $0x80000048  }
0xb3: {  	_ =	swait.ge [sflag:s29], $0x1  }
0xb4: {  	[sflag:s29] =	ssyncadd.s32 $0xFFFFFFFF  }
0xb5: {  	_ =	strace $0x90000048  }
0xb6: {  	_ =	sfence  }
0xb7: {  	s30 =	sld [smem:$0x0];
	_ =	sdelay $0x2  }
0xb8: {  	s31 =	sshll.u32 s1, $0xD;
	s1 =	sshrl.u32 s1, $0x2  }
0xb9: {  	s3 =	sand.u32 $0x4000, s31;
	s1 =	sadd.s32 s1, s30  }
0xba: {  	s0 =	sor.u32 s3, s0;
	s1 =	sshll.u32 s1, $0x11  }
0xbb: {  	s0 =	sor.u32 s1, s0  }
0xbc: {  	s0 =	sadd.s32 $0x8F2B, s0  }
0xbd: {  	[sflag:s0] =	ssyncadd.remote.s32 $0x1  }
0xbe: {  	_ =	sfence.sel $0xFFFF  }
0xbf: {  	[dreg:$0x0] =	wrdreg $0xFFFFFFFF;
	(pc) =	sbr.abs _section_cstart, $3  }
0xc0: {  	[dreg:$0x1] =	wrdreg $0xFFFFFFFF  }
0xc1: {  	_ =	task.clear_ibuf [dreg:s7], $0x2FFFF;
	_ =	strace $0x9FFFFFFF  }
0xc2: {  	(tm) =	ssettm $0x7FFFFFFF  }
0xc3: {  	_ =	shalt  }
tec
execute0_lowered:
.L_overlay_start_1:
0x0: {  	(tag) =	ssettag $0x1  }
0x1: {  	s1 =	srdreg.scid;
	s0 =	stileid.u32  }
0x2: {  	s3 =	sand.u32 $0x1, s1;
	s26 =	sshll.u32 s0, $0x1  }
0x3: {  	s4 =	sor.u32 s3, s26  }
0x4: {  	s5 =	rddreg [dreg:$0x0];
	p1 =	seq.s32 s3, $0x1;
	p0 =	seq.s32 s4, $0x0  }
0x5: {  	s6 =	rddreg [dreg:$0x1];
	p0 =	por !p0, !p1  }
0x6: {  	s2 =	simm.s32 $0x0;
	s1 =	simm.s32 $0x1;
	p0 =	por !p0, !p0  }
0x7: {  	s11 =	simm.s32 $0x0;
	[smem:$0x7FF] =	sst s2;
	s1 =	simm.s32 @!p0 $0x0  }
0x8: {  	s10 =	sshll.u32 s3, $0x11;
	s28 =	ssub.s32 $0x2, s3;
	s9 =	ssub.s32 s0, s1  }
0x9: {  	s4 =	sshll.u32 s4, $0x4;
	s30 =	sshrl.u32 s28, $0x1;
	s7 =	sshll.u32 s9, $0xF  }
0xa: {  	s6 =	sadd.s32 s4, s6;
	s8 =	sshll.u32 s9, $0x7;
	s7 =	sand.u32 $0xFFFC0000, s7  }
0xb: {  	s31 =	ssub.s32 s28, s30;
	s8 =	sand.u32 $0x380, s8;
	s7 =	sor.u32 s10, s7  }
0xc: {  	s4 =	simm.s32 $0x1;
	s6 =	sadd.s32 $0x800, s6;
	s7 =	sor.u32 s8, s7  }
0xd: {  	s1 =	rddreg [dreg:$0x2];
	_ =	strace $0x80000047;
	s29 =	sshrl.u32 s7, $0x3  }
0xe: {  	v0 =	vmov s9;
	s9 =	simm.s32 $0x4000;
	s10 =	simm.s32 $0x3;
	s3 =	sadd.s32 s5, s29  }
0xf: {  	s8 =	simm.s32 $0x2;
	s7 =	smax.u32 s31, $0x1;
	s5 =	sadd.s32 $0x2000, s3  }
.LBB2_1:
0x10: {  	s12 =	simm.s32 $0x80  }
0x11: {  	s15 =	sadd.s32 $0x0, s3;
	s13 =	simm.s32 $0x100;
	s14 =	simm.s32 $0x0  }
.LBB2_2:
0x12: {  	[tilespmem:s14], [sflag:$0x1] =	stream.linear.gather [hbm4b:s15+s2], $0x80, $0x38;
	[tilespmem:$0x4080] =	vst v63  }
0x13: {  	s15 =	smov.u32 s12;
	s14 =	smov.u32 s13;
	p0 =	sne.s32 s12, $0x1F80  }
.Ltmp0:
0x14: {  	s12 =	sadd.s32 $0x80, s12;
	(pc) =	sbr.rel @p0 .LBB2_2-.Ltmp0, $2  }
0x15: {  	_ =	sdelay $0x2  }
0x16: {  	s13 =	sadd.s32 $0x100, s13;
	s15 =	sadd.s32 s15, s3  }
0x17: {  	[tilespmem:s14], [sflag:$0x1] =	stream.linear.gather [hbm4b:s15+s2], $0x80, $0x38;
	[tilespmem:$0x4080] =	vst v63  }
0x18: {  	s12 =	simm.s32 $0x80  }
0x19: {  	s13 =	simm.s32 $0x80;
	s15 =	sadd.s32 $0x0, s5;
	s14 =	simm.s32 $0x180  }
.LBB2_4:
0x1a: {  	[tilespmem:s12], [sflag:$0x2] =	stream.linear.gather [hbm4b:s15+s2], $0x80, $0x38;
	[tilespmem:$0x4080] =	vst v63  }
0x1b: {  	s15 =	smov.u32 s13;
	s12 =	smov.u32 s14;
	p0 =	sne.s32 s13, $0x1F80  }
.Ltmp1:
0x1c: {  	s13 =	sadd.s32 $0x80, s13;
	(pc) =	sbr.rel @p0 .LBB2_4-.Ltmp1, $2  }
0x1d: {  	_ =	sdelay $0x2  }
0x1e: {  	s14 =	sadd.s32 $0x100, s14;
	s15 =	sadd.s32 s15, s5  }
0x1f: {  	[tilespmem:s12], [sflag:$0x2] =	stream.linear.gather [hbm4b:s15+s2], $0x80, $0x38;
	[tilespmem:$0x4080] =	vst v63  }
0x20: {  	_ =	swait.ge [sflag:s4], $0x2000  }
0x21: {  	[sflag:s4] =	ssyncset.done $0x0  }
0x22: {  	s14 =	simm.s32 $0x0;
	[sflag:s4] =	ssyncadd.s32 $0xFFFFE000  }
0x23: {  	v1 =	vld [tilespmem:s14+$0x70]  }
0x24: {  	v2 =	vld [tilespmem:s14+$0x0]  }
0x25: {  	v4 =	vld [tilespmem:s14+$0x10]  }
0x26: {  	v10 =	vld [tilespmem:s14+$0x20]  }
0x27: {  	v3 =	vimm.s32 $0x0;
	v7 =	vimm.s32 $0x0;
	v9 =	vld [tilespmem:s14+$0x30]  }
0x28: {  	v6 =	vimm.s32 $0x0;
	v8 =	vimm.s32 $0x0;
	v11 =	vld [tilespmem:s14+$0x40];
	vm0 =	vle.f32 v1, $5.000000000e-01  }
0x29: {  	v5 =	vimm.s32 $0x0;
	v12 =	vld [tilespmem:s14+$0x50];
	vm1 =	vle.f32 v2, $5.000000000e-01;
	v2 =	vsel vm0, $0x1, v3  }
0x2a: {  	s12 =	simm.s32 $0x100;
	s13 =	simm.s32 $0x800;
	v13 =	vld [tilespmem:s14+$0x60];
	v1 =	vsel vm1, $0x1, v3;
	vm0 =	vle.f32 v4, $5.000000000e-01;
	v4 =	vimm.s32 $0x0  }
.LBB2_6:
0x2b: {  	p0 =	sne.s32 s13, $0xFC00;
	v14 =	vld [tilespmem:s12+$0x70];
	v3 =	vsel vm0, $0x1, v3;
	vm0 =	vle.f32 v10, $5.000000000e-01  }
0x2c: {  	v15 =	vld [tilespmem:s12+$0x0];
	v7 =	vsel vm0, $0x1, v7;
	vm0 =	vle.f32 v9, $5.000000000e-01  }
0x2d: {  	v16 =	vld [tilespmem:s12+$0x10];
	v6 =	vsel vm0, $0x1, v6;
	vm0 =	vle.f32 v11, $5.000000000e-01  }
.Ltmp2:
0x2e: {  	v10 =	vld [tilespmem:s12+$0x20];
	v8 =	vsel vm0, $0x1, v8;
	vm0 =	vle.f32 v12, $5.000000000e-01;
	(pc) =	sbr.rel @p0 .LBB2_6-.Ltmp2, $4  }
0x2f: {  	v9 =	vld [tilespmem:s12+$0x30];
	v5 =	vsel vm0, $0x1, v5;
	vm0 =	vle.f32 v13, $5.000000000e-01  }
0x30: {  	v11 =	vld [tilespmem:s12+$0x40];
	vm1 =	vle.f32 v14, $5.000000000e-01;
	v4 =	vsel vm0, $0x1, v4  }
0x31: {  	vm0 =	vle.f32 v15, $5.000000000e-01;
	v12 =	vld [tilespmem:s12+$0x50];
	v2 =	vsel vm1, $0x1, v2  }
0x32: {  	v1 =	vsel vm0, $0x1, v1;
	vm0 =	vle.f32 v16, $5.000000000e-01;
	v13 =	vld [tilespmem:s12+$0x60];
	s12 =	sshra.s32 s13, $0x2;
	s13 =	sadd.s32 $0x400, s13  }
0x33: {  	v14 =	vld [tilespmem:s12+$0x70]  }
0x34: {  	v15 =	vld [tilespmem:s12+$0x0]  }
0x35: {  	v16 =	vld [tilespmem:s12+$0x10]  }
0x36: {  	v17 =	vld [tilespmem:s12+$0x20]  }
0x37: {  	v18 =	vld [tilespmem:s12+$0x30]  }
0x38: {  	v19 =	vld [tilespmem:s12+$0x40]  }
0x39: {  	v20 =	vld [tilespmem:s12+$0x50]  }
0x3a: {  	v21 =	vld [tilespmem:s12+$0x60];
	vm1 =	vle.f32 v10, $5.000000000e-01;
	v3 =	vsel vm0, $0x1, v3;
	_ =	swait.ge [sflag:s8], $0x2000  }
0x3b: {  	vm0 =	vle.f32 v9, $5.000000000e-01;
	v7 =	vsel vm1, $0x1, v7;
	[sflag:s8] =	ssyncset.done $0x0;
	vm1 =	vle.f32 v11, $5.000000000e-01  }
0x3c: {  	s14 =	simm.s32 $0x0;
	v6 =	vsel vm0, $0x1, v6;
	[sflag:s8] =	ssyncadd.s32 $0xFFFFE000;
	vm0 =	vle.f32 v12, $5.000000000e-01;
	v8 =	vsel vm1, $0x1, v8  }
0x3d: {  	v12 =	vld [tilespmem:s14+$0xF0];
	vm1 =	vle.f32 v13, $5.000000000e-01;
	v11 =	vsel vm0, $0x1, v5;
	vm0 =	vle.f32 v14, $5.000000000e-01  }
0x3e: {  	v13 =	vsel vm1, $0x1, v4;
	vm1 =	vle.f32 v15, $5.000000000e-01;
	v15 =	vld [tilespmem:s14+$0x80];
	v14 =	vsel vm0, $0x1, v2  }
0x3f: {  	v63 =	vld [tilespmem:s14+$0x90];
	vm0 =	vle.f32 v16, $5.000000000e-01;
	v62 =	vsel vm1, $0x1, v1;
	vm1 =	vle.f32 v17, $5.000000000e-01  }
0x40: {  	v9 =	vld [tilespmem:s14+$0xA0];
	v2 =	vsel vm0, $0x1, v3;
	v3 =	vsel vm1, $0x1, v7;
	vm0 =	vle.f32 v18, $5.000000000e-01  }
0x41: {  	v10 =	vld [tilespmem:s14+$0xB0];
	vm1 =	vle.f32 v19, $5.000000000e-01;
	v4 =	vsel vm0, $0x1, v6;
	vm0 =	vle.f32 v20, $5.000000000e-01  }
0x42: {  	v5 =	vsel vm1, $0x1, v8;
	v6 =	vsel vm0, $0x1, v11;
	vm0 =	vle.f32 v21, $5.000000000e-01;
	v11 =	vld [tilespmem:s14+$0xC0]  }
0x43: {  	v7 =	vsel vm0, $0x1, v13;
	vm0 =	vle.f32 v12, $5.000000000e-01;
	vm1 =	vle.f32 v15, $5.000000000e-01;
	v12 =	vld [tilespmem:s14+$0xD0]  }
0x44: {  	s12 =	simm.s32 $0x100;
	s13 =	simm.s32 $0x800;
	v13 =	vld [tilespmem:s14+$0xE0];
	v1 =	vsel vm0, $0x1, v14;
	v8 =	vsel vm1, $0x1, v62;
	vm0 =	vle.f32 v63, $5.000000000e-01  }
.LBB2_8:
0x45: {  	p0 =	sne.s32 s13, $0xFC00;
	v14 =	vld [tilespmem:s12+$0xF0];
	v2 =	vsel vm0, $0x1, v2;
	vm0 =	vle.f32 v9, $5.000000000e-01  }
0x46: {  	v15 =	vld [tilespmem:s12+$0x80];
	v3 =	vsel vm0, $0x1, v3;
	vm0 =	vle.f32 v10, $5.000000000e-01  }
0x47: {  	v16 =	vld [tilespmem:s12+$0x90];
	v4 =	vsel vm0, $0x1, v4;
	vm0 =	vle.f32 v11, $5.000000000e-01  }
.Ltmp3:
0x48: {  	v9 =	vld [tilespmem:s12+$0xA0];
	v5 =	vsel vm0, $0x1, v5;
	vm0 =	vle.f32 v12, $5.000000000e-01;
	(pc) =	sbr.rel @p0 .LBB2_8-.Ltmp3, $4  }
0x49: {  	v10 =	vld [tilespmem:s12+$0xB0];
	v6 =	vsel vm0, $0x1, v6;
	vm0 =	vle.f32 v13, $5.000000000e-01  }
0x4a: {  	v11 =	vld [tilespmem:s12+$0xC0];
	vm1 =	vle.f32 v14, $5.000000000e-01;
	v7 =	vsel vm0, $0x1, v7  }
0x4b: {  	vm0 =	vle.f32 v15, $5.000000000e-01;
	v12 =	vld [tilespmem:s12+$0xD0];
	v1 =	vsel vm1, $0x1, v1  }
0x4c: {  	v8 =	vsel vm0, $0x1, v8;
	vm0 =	vle.f32 v16, $5.000000000e-01;
	v13 =	vld [tilespmem:s12+$0xE0];
	s12 =	sshra.s32 s13, $0x2;
	s13 =	sadd.s32 $0x400, s13  }
0x4d: {  	v14 =	vld [tilespmem:s12+$0x80]  }
0x4e: {  	v15 =	vld [tilespmem:s12+$0x90]  }
0x4f: {  	vm1 =	vle.f32 v9, $5.000000000e-01;
	v57 =	vld [tilespmem:s12+$0xA0]  }
0x50: {  	v2 =	vsel vm0, $0x1, v2;
	v58 =	vld [tilespmem:s12+$0xB0];
	v3 =	vsel vm1, $0x1, v3;
	vm15 =	vle.f32 v10, $5.000000000e-01  }
0x51: {  	v59 =	vld [tilespmem:s12+$0xC0];
	vm4 =	vle.f32 v11, $5.000000000e-01;
	v4 =	vsel vm15, $0x1, v4;
	vm5 =	vle.f32 v12, $5.000000000e-01  }
0x52: {  	v60 =	vld [tilespmem:s12+$0xD0];
	v5 =	vsel vm4, $0x1, v5;
	v6 =	vsel vm5, $0x1, v6;
	vm6 =	vle.f32 v13, $5.000000000e-01  }
0x53: {  	v61 =	vld [tilespmem:s12+$0xE0];
	v7 =	vsel vm6, $0x1, v7;
	vm7 =	vle.f32 v14, $5.000000000e-01;
	vm8 =	vle.f32 v15, $5.000000000e-01  }
0x54: {  	v62 =	vld [tilespmem:s12+$0xF0];
	vm9 =	vle.f32 v57, $5.000000000e-01;
	v8 =	vsel vm7, $0x1, v8;
	v2 =	vsel vm8, $0x1, v2  }
0x55: {  	vm10 =	vle.f32 v58, $5.000000000e-01;
	v3 =	vsel vm9, $0x1, v3;
	v2 =	vor.u32 v8, v2  }
0x56: {  	vm11 =	vle.f32 v59, $5.000000000e-01;
	v4 =	vsel vm10, $0x1, v4;
	v2 =	vor.u32 v3, v2  }
0x57: {  	vm12 =	vle.f32 v60, $5.000000000e-01;
	v3 =	vsel vm11, $0x1, v5;
	v2 =	vor.u32 v4, v2  }
0x58: {  	vm13 =	vle.f32 v61, $5.000000000e-01;
	v63 =	vsel vm12, $0x1, v6;
	v2 =	vor.u32 v3, v2  }
0x59: {  	vm14 =	vle.f32 v62, $5.000000000e-01;
	v3 =	vsel vm13, $0x1, v7;
	v2 =	vor.u32 v63, v2  }
0x5a: {  	v1 =	vsel vm14, $0x1, v1;
	v2 =	vor.u32 v3, v2  }
0x5b: {  	v1 =	vor.u32 v1, v2  }
0x5c: {  	s11 =	sadd.s32 $0x1, s11;
	vm15 =	vgt.s32 v1, $0x0  }
0x5d: {  	p0 =	sne.s32 s11, s7;
	v1 =	vnsel vm15, $0x40, v0  }
.Ltmp4:
0x5e: {  	[tilespmem:$0x4000] =	vst v1;
	(pc) =	sbr.rel @p0 .LBB2_1-.Ltmp4, $4  }
0x5f: {  	[hbm4b:s6+s2] =	stream.linear.scatter [tilespmem:s9], [sflag:$0x3], $0x80, $0x38;
	[tilespmem:$0x4080] =	vst v63  }
0x60: {  	_ =	swait.ge [sflag:s10], $0x80  }
0x61: {  	[sflag:s10] =	ssyncset.done $0x0  }
0x62: {  	[sflag:s10] =	ssyncadd.s32 $0xFFFFFF80  }
0x63: {  	_ =	sfence.sel $0x180000  }
0x64: {  	[bflag:$0x0] =	sbarrier.arrive $0xFFFF  }
0x65: {  	p0 =	sne.s32 s0, $0x0;
	_ =	strace $0x90000047  }
0x66: {  	s0 =	sadd.s32 @!p0 $0x100000, s1;
	[bflag:$0x2] =	sbarrier.arrive $0xFFFF  }
0x67: {  	[sflag:s0] =	ssyncadd.tile.s32 @!p0 $0x1;
	_ =	shalt  }
.Lfunc_end2:
_tile_overlayer_lowered:
.L_overlay_start_2:
0x68: {  	(tag) =	ssettag $0x2  }
0x69: {  	s0 =	rddreg [dreg:$0x0];
	s2 =	stileid.u32  }
0x6a: {  	s1 =	rddreg [dreg:$0x1];
	p0 =	sne.s32 s2, $0x0  }
0x6b: {  	s3 =	rddreg [dreg:$0x2];
	[bflag:$0x3] =	sbarrier.arrive $0xFFFF;
	s2 =	simm.s32 @!p0 $0x1C03  }
0x6c: {  	[timem:s3], [sflag:s2] =	dma.local @!p0 [hbm:s0], s1  }
0x6d: {  	s0 =	simm.s32 @!p0 $0x3  }
0x6e: {  	_ =	swait.ge @!p0 [sflag:s0], s1  }
0x6f: {  	s1 =	ssub.s32 @!p0 $0x0, s1;
	[sflag:s0] =	ssyncset.done @!p0 $0x0  }
0x70: {  	[sflag:s0] =	ssyncadd.s32 @!p0 s1  }
0x71: {  	[bflag:$0x3] =	sbarrier.arrive $0xFFFF  }
0x72: {  	_ =	shalt  }

</sc_bundles>
